<compile_context>
chip_gen: v7x
topology: tpu7x:2x2x1
jax: 0.10.2.dev20260603
libtpu: 0.0.44.dev20260713+nightly
codegen_flags: <defaults>
</compile_context>

<pallas_src>
import functools

import jax
import jax.numpy as jnp
from jax import lax
from jax.experimental import pallas as pl
from jax.experimental.pallas import tpu as pltpu
from jax.experimental.pallas import tpu_sc as plsc

_LANES = 16
_CHUNKS = (128, 128, 128, 128)


def _make_sc_gather(batch, n_actions):
    info = plsc.get_sparse_core_info()
    num_workers = info.num_cores * info.num_subcores
    b_per_w = batch // num_workers
    assert sum(_CHUNKS) == b_per_w
    offs = [sum(_CHUNKS[:j]) for j in range(len(_CHUNKS))]
    mesh = plsc.VectorSubcoreMesh(core_axis_name="c", subcore_axis_name="s")

    @functools.partial(
        pl.kernel,
        mesh=mesh,
        out_type=jax.ShapeDtypeStruct((batch,), jnp.float32),
        scratch_types=[
            pltpu.VMEM((b_per_w,), jnp.int32),
            pltpu.VMEM((b_per_w,), jnp.int32),
            pltpu.VMEM((b_per_w,), jnp.int32),
            pltpu.VMEM((b_per_w,), jnp.float32),
            pltpu.SemaphoreType.DMA,
            pltpu.SemaphoreType.DMA,
        ] + [pltpu.SemaphoreType.DMA] * len(_CHUNKS),
    )
    def sc_gather(state_hbm, action_hbm, table_hbm, out_hbm,
                  s_v, a_v, idx_v, vals_v, in_sem, w_sem, *g_sems):
        wid = lax.axis_index("s") * info.num_cores + lax.axis_index("c")
        base = wid * b_per_w

        in_copies = [
            pltpu.make_async_copy(
                state_hbm.at[pl.ds(base, b_per_w)], s_v, in_sem),
            pltpu.make_async_copy(
                action_hbm.at[pl.ds(base, b_per_w)], a_v, in_sem),
        ]
        for c in in_copies:
            c.start()
        for c in in_copies:
            c.wait()

        log2_actions = n_actions.bit_length() - 1
        assert n_actions == 1 << log2_actions

        gathers = []
        for j, (off, sz) in enumerate(zip(offs, _CHUNKS)):
            def idx_body(i, _, off=off):
                sl = pl.ds(off + i * _LANES, _LANES)
                idx_v[sl] = (s_v[sl] << log2_actions) | a_v[sl]
                return 0

            lax.fori_loop(0, sz // _LANES, idx_body, 0)
            chunk = pl.ds(off, sz)
            g = pltpu.make_async_copy(
                table_hbm.at[idx_v.at[chunk]], vals_v.at[chunk], g_sems[j])
            g.start()
            gathers.append(g)

        writebacks = []
        for j, (off, sz) in enumerate(zip(offs, _CHUNKS)):
            gathers[j].wait()
            chunk = pl.ds(off, sz)
            w = pltpu.make_async_copy(
                vals_v.at[chunk], out_hbm.at[pl.ds(base + off, sz)], w_sem)
            w.start()
            writebacks.append(w)
        for w in writebacks:
            w.wait()

    return sc_gather


def kernel(state, action, table):
    batch = state.shape[0]
    n_actions = table.shape[1]
    flat_table = table.reshape(-1)
    fn = _make_sc_gather(batch, n_actions)
    return fn(state.astype(jnp.int32), action.astype(jnp.int32), flat_table)

# --- scband reference (transcript-rebuilt; emitter-appended) ---
"""Pipeline reference for scband-table-qzero-net-39513699123416 (READ-ONLY COPY).

The authoritative reference and input builder live on the scoring server;
editing this copy changes nothing except your own understanding.
"""

import jax, jax.numpy as jnp
import numpy as np

N_STATES = 1000000
N_ACTIONS = 128
BATCH = 16384


def setup_inputs(seed: int = 0) -> dict:
    key = jax.random.key(seed)
    k1, k2, k3 = jax.random.split(key, 3)
    state = jax.random.randint(k1, (BATCH,), 0, N_STATES, dtype=jnp.int64 if jax.config.jax_enable_x64 else jnp.int32).astype(jnp.int32)
    action = jax.random.randint(k2, (BATCH,), 0, N_ACTIONS, dtype=jnp.int64 if jax.config.jax_enable_x64 else jnp.int32).astype(jnp.int32)
    # learned Q-table parameter (hk.get_parameter 'table'); init=zeros in the
    # original, but use small random values so outputs/grads are nontrivial.
    table = jax.random.normal(k3, (N_STATES, N_ACTIONS), dtype=jnp.float32) * 0.01
    return {"state": state, "action": action, "table": table}


def reference(state, action, table):
    # Faithful translation of TableQZeroNet.__call__: per-batch-element
    # gather of table[state_i, action_i] via vmap.
    s = state.astype(jnp.int32)
    a = action.astype(jnp.int32)
    return jax.vmap(lambda s_, a_: table[s_, a_])(s, a)

if __name__ == "__main__":
    import jax
    _d = setup_inputs()
    print(jax.jit(kernel)(*tuple(_d.values())))

</pallas_src>

<mosaic_0001>
#map = affine_map<(d0, d1) -> (0)>
module attributes {stable_mosaic.version = 14 : i64} {
  func.func @sc_gather(%arg0: i32, %arg1: i32, %arg2: memref<16384xi32, #tpu.memory_space<hbm>>, %arg3: memref<16384xi32, #tpu.memory_space<hbm>>, %arg4: memref<128000000xf32, #tpu.memory_space<hbm>>, %arg5: memref<16384xf32, #tpu.memory_space<hbm>>, %arg6: memref<512xi32, #tpu.memory_space<vmem>>, %arg7: memref<512xi32, #tpu.memory_space<vmem>>, %arg8: memref<512xi32, #tpu.memory_space<vmem>>, %arg9: memref<512xf32, #tpu.memory_space<vmem>>, %arg10: memref<!tpu.dma_semaphore, #tpu.memory_space<semaphore_mem>>, %arg11: memref<!tpu.dma_semaphore, #tpu.memory_space<semaphore_mem>>, %arg12: memref<!tpu.dma_semaphore, #tpu.memory_space<semaphore_mem>>, %arg13: memref<!tpu.dma_semaphore, #tpu.memory_space<semaphore_mem>>, %arg14: memref<!tpu.dma_semaphore, #tpu.memory_space<semaphore_mem>>, %arg15: memref<!tpu.dma_semaphore, #tpu.memory_space<semaphore_mem>>) attributes {dimension_semantics = [#tpu.dimension_semantics<core_parallel>, #tpu.dimension_semantics<subcore_parallel>], iteration_bounds = array<i64: 2, 16>, scalar_prefetch = 0 : i64, scratch_operands = 10 : i64, tpu.core_type = #tpu.core_type<sc_vector_subcore>, window_params = [{transform_indices = #map}, {transform_indices = #map}, {transform_indices = #map}, {transform_indices = #map}]} {
    %mul3A = arith.constant 2 : i32
    %mul3A_0 = arith.muli %arg1, %mul3A : i32
    %add3A = arith.addi %mul3A_0, %arg0 : i32
    %mul3A_1 = arith.constant 512 : i32
    %mul3A_2 = arith.muli %add3A, %mul3A_1 : i32
    %dma_start3A = tpu.memref_slice %arg2[%mul3A_2] : memref<16384xi32, #tpu.memory_space<hbm>> -> memref<512xi32, #tpu.memory_space<hbm>>
    %dma_start3A_3 = tpu.memref_slice %arg2[%mul3A_2] : memref<16384xi32, #tpu.memory_space<hbm>> -> memref<512xi32, #tpu.memory_space<hbm>>
    tpu.enqueue_dma source(%dma_start3A_3 : memref<512xi32, #tpu.memory_space<hbm>>) target(%arg6 : memref<512xi32, #tpu.memory_space<vmem>>) target_semaphore(%arg10 : memref<!tpu.dma_semaphore, #tpu.memory_space<semaphore_mem>>)
    %dma_start3A_4 = tpu.memref_slice %arg3[%mul3A_2] : memref<16384xi32, #tpu.memory_space<hbm>> -> memref<512xi32, #tpu.memory_space<hbm>>
    %dma_start3A_5 = tpu.memref_slice %arg3[%mul3A_2] : memref<16384xi32, #tpu.memory_space<hbm>> -> memref<512xi32, #tpu.memory_space<hbm>>
    tpu.enqueue_dma source(%dma_start3A_5 : memref<512xi32, #tpu.memory_space<hbm>>) target(%arg7 : memref<512xi32, #tpu.memory_space<vmem>>) target_semaphore(%arg10 : memref<!tpu.dma_semaphore, #tpu.memory_space<semaphore_mem>>)
    %dma_wait3A = tpu.memref_slice %arg2[%mul3A_2] : memref<16384xi32, #tpu.memory_space<hbm>> -> memref<512xi32, #tpu.memory_space<hbm>>
    %dma_wait3A_6 = tpu.memref_slice %arg2[%mul3A_2] : memref<16384xi32, #tpu.memory_space<hbm>> -> memref<512xi32, #tpu.memory_space<hbm>>
    tpu.wait_dma2 semaphore(%arg10 : memref<!tpu.dma_semaphore, #tpu.memory_space<semaphore_mem>>) src(%dma_wait3A_6 : memref<512xi32, #tpu.memory_space<hbm>>) dst(%arg6 : memref<512xi32, #tpu.memory_space<vmem>>)
    %dma_wait3A_7 = tpu.memref_slice %arg3[%mul3A_2] : memref<16384xi32, #tpu.memory_space<hbm>> -> memref<512xi32, #tpu.memory_space<hbm>>
    %dma_wait3A_8 = tpu.memref_slice %arg3[%mul3A_2] : memref<16384xi32, #tpu.memory_space<hbm>> -> memref<512xi32, #tpu.memory_space<hbm>>
    tpu.wait_dma2 semaphore(%arg10 : memref<!tpu.dma_semaphore, #tpu.memory_space<semaphore_mem>>) src(%dma_wait3A_8 : memref<512xi32, #tpu.memory_space<hbm>>) dst(%arg7 : memref<512xi32, #tpu.memory_space<vmem>>)
    %scan3A = arith.constant 0 : i32
    %scan3A_9 = arith.constant 0 : i32
    %scan3A_10 = arith.constant 8 : i32
    %scan3A_11 = arith.addi %scan3A_9, %scan3A_10 : i32
    %scan3A_12 = arith.constant 1 : i32
    %scan3A_13 = scf.for %scan3A_140 = %scan3A_9 to %scan3A_11 step %scan3A_12 iter_args(%scan3A_141 = %scan3A) -> (i32)  : i32 {
      %mul3A_142 = arith.constant 16 : i32
      %mul3A_143 = arith.muli %scan3A_140, %mul3A_142 : i32
      %add3A_144 = arith.constant 0 : i32
      %add3A_145 = arith.addi %add3A_144, %mul3A_143 : i32
      %get3A = arith.index_cast %add3A_145 : i32 to index
      %get3A_146 = tpu.vector_load %arg6[%get3A] {strides = array<i32>} : memref<512xi32, #tpu.memory_space<vmem>>, vector<16xi32>,
      %get3A_147 = vector.shape_cast %get3A_146 : vector<16xi32> to vector<16xi32>
      %shift_left3A = arith.constant 7 : i32
      %shift_left3A_148 = vector.broadcast %shift_left3A : i32 to vector<16xi32>
      %shift_left3A_149 = arith.shli %get3A_147, %shift_left3A_148 : vector<16xi32>
      %get3A_150 = arith.index_cast %add3A_145 : i32 to index
      %get3A_151 = tpu.vector_load %arg7[%get3A_150] {strides = array<i32>} : memref<512xi32, #tpu.memory_space<vmem>>, vector<16xi32>,
      %get3A_152 = vector.shape_cast %get3A_151 : vector<16xi32> to vector<16xi32>
      %or3A = arith.ori %shift_left3A_149, %get3A_152 : vector<16xi32>
      %swap3A = arith.index_cast %add3A_145 : i32 to index
      %swap3A_153 = tpu.vector_load %arg8[%swap3A] {strides = array<i32>} : memref<512xi32, #tpu.memory_space<vmem>>, vector<16xi32>,
      %swap3A_154 = vector.shape_cast %swap3A_153 : vector<16xi32> to vector<16xi32>
      %swap3A_155 = vector.shape_cast %or3A : vector<16xi32> to vector<16xi32>
      tpu.vector_store %arg8[%swap3A], %swap3A_155 {strides = array<i32>} : memref<512xi32, #tpu.memory_space<vmem>>, vector<16xi32>,
      %scan3A_156 = arith.constant 0 : i32
      scf.yield %scan3A_156 : i32
    }
    %scan3A_14 = arith.constant 8 : i32
    %dma_start3A_15 = arith.constant 0 : i32
    %dma_start3A_16 = tpu.memref_slice %arg9[%dma_start3A_15] : memref<512xf32, #tpu.memory_space<vmem>> -> memref<128xf32, #tpu.memory_space<vmem>>
    %dma_start3A_17 = arith.constant 0 : i32
    %dma_start3A_18 = tpu.memref_slice %arg8[%dma_start3A_17] : memref<512xi32, #tpu.memory_space<vmem>> -> memref<128xi32, #tpu.memory_space<vmem>>
    %dma_start3A_19 = arith.constant 0 : i32
    %dma_start3A_20 = tpu.memref_slice %arg4[%dma_start3A_19] : memref<128000000xf32, #tpu.memory_space<hbm>> -> memref<128000000xf32, #tpu.memory_space<hbm>>
    tpu.enqueue_indirect_dma source(%dma_start3A_20 : memref<128000000xf32, #tpu.memory_space<hbm>>) target(%dma_start3A_16 : memref<128xf32, #tpu.memory_space<vmem>>) offsets(%dma_start3A_18 : memref<128xi32, #tpu.memory_space<vmem>>) semaphore(%arg12 : memref<!tpu.dma_semaphore, #tpu.memory_space<semaphore_mem>>)
    %scan3A_21 = arith.constant 0 : i32
    %scan3A_22 = arith.constant 0 : i32
    %scan3A_23 = arith.constant 8 : i32
    %scan3A_24 = arith.addi %scan3A_22, %scan3A_23 : i32
    %scan3A_25 = arith.constant 1 : i32
    %scan3A_26 = scf.for %scan3A_140 = %scan3A_22 to %scan3A_24 step %scan3A_25 iter_args(%scan3A_141 = %scan3A_21) -> (i32)  : i32 {
      %mul3A_142 = arith.constant 16 : i32
      %mul3A_143 = arith.muli %scan3A_140, %mul3A_142 : i32
      %add3A_144 = arith.constant 128 : i32
      %add3A_145 = arith.addi %add3A_144, %mul3A_143 : i32
      %get3A = arith.index_cast %add3A_145 : i32 to index
      %get3A_146 = tpu.vector_load %arg6[%get3A] {strides = array<i32>} : memref<512xi32, #tpu.memory_space<vmem>>, vector<16xi32>,
      %get3A_147 = vector.shape_cast %get3A_146 : vector<16xi32> to vector<16xi32>
      %shift_left3A = arith.constant 7 : i32
      %shift_left3A_148 = vector.broadcast %shift_left3A : i32 to vector<16xi32>
      %shift_left3A_149 = arith.shli %get3A_147, %shift_left3A_148 : vector<16xi32>
      %get3A_150 = arith.index_cast %add3A_145 : i32 to index
      %get3A_151 = tpu.vector_load %arg7[%get3A_150] {strides = array<i32>} : memref<512xi32, #tpu.memory_space<vmem>>, vector<16xi32>,
      %get3A_152 = vector.shape_cast %get3A_151 : vector<16xi32> to vector<16xi32>
      %or3A = arith.ori %shift_left3A_149, %get3A_152 : vector<16xi32>
      %swap3A = arith.index_cast %add3A_145 : i32 to index
      %swap3A_153 = tpu.vector_load %arg8[%swap3A] {strides = array<i32>} : memref<512xi32, #tpu.memory_space<vmem>>, vector<16xi32>,
      %swap3A_154 = vector.shape_cast %swap3A_153 : vector<16xi32> to vector<16xi32>
      %swap3A_155 = vector.shape_cast %or3A : vector<16xi32> to vector<16xi32>
      tpu.vector_store %arg8[%swap3A], %swap3A_155 {strides = array<i32>} : memref<512xi32, #tpu.memory_space<vmem>>, vector<16xi32>,
      %scan3A_156 = arith.constant 0 : i32
      scf.yield %scan3A_156 : i32
    }
    %scan3A_27 = arith.constant 8 : i32
    %dma_start3A_28 = arith.constant 128 : i32
    %dma_start3A_29 = tpu.memref_slice %arg9[%dma_start3A_28] : memref<512xf32, #tpu.memory_space<vmem>> -> memref<128xf32, #tpu.memory_space<vmem>>
    %dma_start3A_30 = arith.constant 128 : i32
    %dma_start3A_31 = tpu.memref_slice %arg8[%dma_start3A_30] : memref<512xi32, #tpu.memory_space<vmem>> -> memref<128xi32, #tpu.memory_space<vmem>>
    %dma_start3A_32 = arith.constant 0 : i32
    %dma_start3A_33 = tpu.memref_slice %arg4[%dma_start3A_32] : memref<128000000xf32, #tpu.memory_space<hbm>> -> memref<128000000xf32, #tpu.memory_space<hbm>>
    tpu.enqueue_indirect_dma source(%dma_start3A_33 : memref<128000000xf32, #tpu.memory_space<hbm>>) target(%dma_start3A_29 : memref<128xf32, #tpu.memory_space<vmem>>) offsets(%dma_start3A_31 : memref<128xi32, #tpu.memory_space<vmem>>) semaphore(%arg13 : memref<!tpu.dma_semaphore, #tpu.memory_space<semaphore_mem>>)
    %scan3A_34 = arith.constant 0 : i32
    %scan3A_35 = arith.constant 0 : i32
    %scan3A_36 = arith.constant 8 : i32
    %scan3A_37 = arith.addi %scan3A_35, %scan3A_36 : i32
    %scan3A_38 = arith.constant 1 : i32
    %scan3A_39 = scf.for %scan3A_140 = %scan3A_35 to %scan3A_37 step %scan3A_38 iter_args(%scan3A_141 = %scan3A_34) -> (i32)  : i32 {
      %mul3A_142 = arith.constant 16 : i32
      %mul3A_143 = arith.muli %scan3A_140, %mul3A_142 : i32
      %add3A_144 = arith.constant 256 : i32
      %add3A_145 = arith.addi %add3A_144, %mul3A_143 : i32
      %get3A = arith.index_cast %add3A_145 : i32 to index
      %get3A_146 = tpu.vector_load %arg6[%get3A] {strides = array<i32>} : memref<512xi32, #tpu.memory_space<vmem>>, vector<16xi32>,
      %get3A_147 = vector.shape_cast %get3A_146 : vector<16xi32> to vector<16xi32>
      %shift_left3A = arith.constant 7 : i32
      %shift_left3A_148 = vector.broadcast %shift_left3A : i32 to vector<16xi32>
      %shift_left3A_149 = arith.shli %get3A_147, %shift_left3A_148 : vector<16xi32>
      %get3A_150 = arith.index_cast %add3A_145 : i32 to index
      %get3A_151 = tpu.vector_load %arg7[%get3A_150] {strides = array<i32>} : memref<512xi32, #tpu.memory_space<vmem>>, vector<16xi32>,
      %get3A_152 = vector.shape_cast %get3A_151 : vector<16xi32> to vector<16xi32>
      %or3A = arith.ori %shift_left3A_149, %get3A_152 : vector<16xi32>
      %swap3A = arith.index_cast %add3A_145 : i32 to index
      %swap3A_153 = tpu.vector_load %arg8[%swap3A] {strides = array<i32>} : memref<512xi32, #tpu.memory_space<vmem>>, vector<16xi32>,
      %swap3A_154 = vector.shape_cast %swap3A_153 : vector<16xi32> to vector<16xi32>
      %swap3A_155 = vector.shape_cast %or3A : vector<16xi32> to vector<16xi32>
      tpu.vector_store %arg8[%swap3A], %swap3A_155 {strides = array<i32>} : memref<512xi32, #tpu.memory_space<vmem>>, vector<16xi32>,
      %scan3A_156 = arith.constant 0 : i32
      scf.yield %scan3A_156 : i32
    }
    %scan3A_40 = arith.constant 8 : i32
    %dma_start3A_41 = arith.constant 256 : i32
    %dma_start3A_42 = tpu.memref_slice %arg9[%dma_start3A_41] : memref<512xf32, #tpu.memory_space<vmem>> -> memref<128xf32, #tpu.memory_space<vmem>>
    %dma_start3A_43 = arith.constant 256 : i32
    %dma_start3A_44 = tpu.memref_slice %arg8[%dma_start3A_43] : memref<512xi32, #tpu.memory_space<vmem>> -> memref<128xi32, #tpu.memory_space<vmem>>
    %dma_start3A_45 = arith.constant 0 : i32
    %dma_start3A_46 = tpu.memref_slice %arg4[%dma_start3A_45] : memref<128000000xf32, #tpu.memory_space<hbm>> -> memref<128000000xf32, #tpu.memory_space<hbm>>
    tpu.enqueue_indirect_dma source(%dma_start3A_46 : memref<128000000xf32, #tpu.memory_space<hbm>>) target(%dma_start3A_42 : memref<128xf32, #tpu.memory_space<vmem>>) offsets(%dma_start3A_44 : memref<128xi32, #tpu.memory_space<vmem>>) semaphore(%arg14 : memref<!tpu.dma_semaphore, #tpu.memory_space<semaphore_mem>>)
    %scan3A_47 = arith.constant 0 : i32
    %scan3A_48 = arith.constant 0 : i32
    %scan3A_49 = arith.constant 8 : i32
    %scan3A_50 = arith.addi %scan3A_48, %scan3A_49 : i32
    %scan3A_51 = arith.constant 1 : i32
    %scan3A_52 = scf.for %scan3A_140 = %scan3A_48 to %scan3A_50 step %scan3A_51 iter_args(%scan3A_141 = %scan3A_47) -> (i32)  : i32 {
      %mul3A_142 = arith.constant 16 : i32
      %mul3A_143 = arith.muli %scan3A_140, %mul3A_142 : i32
      %add3A_144 = arith.constant 384 : i32
      %add3A_145 = arith.addi %add3A_144, %mul3A_143 : i32
      %get3A = arith.index_cast %add3A_145 : i32 to index
      %get3A_146 = tpu.vector_load %arg6[%get3A] {strides = array<i32>} : memref<512xi32, #tpu.memory_space<vmem>>, vector<16xi32>,
      %get3A_147 = vector.shape_cast %get3A_146 : vector<16xi32> to vector<16xi32>
      %shift_left3A = arith.constant 7 : i32
      %shift_left3A_148 = vector.broadcast %shift_left3A : i32 to vector<16xi32>
      %shift_left3A_149 = arith.shli %get3A_147, %shift_left3A_148 : vector<16xi32>
      %get3A_150 = arith.index_cast %add3A_145 : i32 to index
      %get3A_151 = tpu.vector_load %arg7[%get3A_150] {strides = array<i32>} : memref<512xi32, #tpu.memory_space<vmem>>, vector<16xi32>,
      %get3A_152 = vector.shape_cast %get3A_151 : vector<16xi32> to vector<16xi32>
      %or3A = arith.ori %shift_left3A_149, %get3A_152 : vector<16xi32>
      %swap3A = arith.index_cast %add3A_145 : i32 to index
      %swap3A_153 = tpu.vector_load %arg8[%swap3A] {strides = array<i32>} : memref<512xi32, #tpu.memory_space<vmem>>, vector<16xi32>,
      %swap3A_154 = vector.shape_cast %swap3A_153 : vector<16xi32> to vector<16xi32>
      %swap3A_155 = vector.shape_cast %or3A : vector<16xi32> to vector<16xi32>
      tpu.vector_store %arg8[%swap3A], %swap3A_155 {strides = array<i32>} : memref<512xi32, #tpu.memory_space<vmem>>, vector<16xi32>,
      %scan3A_156 = arith.constant 0 : i32
      scf.yield %scan3A_156 : i32
    }
    %scan3A_53 = arith.constant 8 : i32
    %dma_start3A_54 = arith.constant 384 : i32
    %dma_start3A_55 = tpu.memref_slice %arg9[%dma_start3A_54] : memref<512xf32, #tpu.memory_space<vmem>> -> memref<128xf32, #tpu.memory_space<vmem>>
    %dma_start3A_56 = arith.constant 384 : i32
    %dma_start3A_57 = tpu.memref_slice %arg8[%dma_start3A_56] : memref<512xi32, #tpu.memory_space<vmem>> -> memref<128xi32, #tpu.memory_space<vmem>>
    %dma_start3A_58 = arith.constant 0 : i32
    %dma_start3A_59 = tpu.memref_slice %arg4[%dma_start3A_58] : memref<128000000xf32, #tpu.memory_space<hbm>> -> memref<128000000xf32, #tpu.memory_space<hbm>>
    tpu.enqueue_indirect_dma source(%dma_start3A_59 : memref<128000000xf32, #tpu.memory_space<hbm>>) target(%dma_start3A_55 : memref<128xf32, #tpu.memory_space<vmem>>) offsets(%dma_start3A_57 : memref<128xi32, #tpu.memory_space<vmem>>) semaphore(%arg15 : memref<!tpu.dma_semaphore, #tpu.memory_space<semaphore_mem>>)
    %dma_wait3A_60 = arith.constant 0 : i32
    %dma_wait3A_61 = tpu.memref_slice %arg9[%dma_wait3A_60] : memref<512xf32, #tpu.memory_space<vmem>> -> memref<128xf32, #tpu.memory_space<vmem>>
    %dma_wait3A_62 = arith.constant 0 : i32
    %dma_wait3A_63 = tpu.memref_slice %arg8[%dma_wait3A_62] : memref<512xi32, #tpu.memory_space<vmem>> -> memref<128xi32, #tpu.memory_space<vmem>>
    %dma_wait3A_64 = arith.constant 0 : i32
    %dma_wait3A_65 = tpu.memref_slice %arg4[%dma_wait3A_64] : memref<128000000xf32, #tpu.memory_space<hbm>> -> memref<128000000xf32, #tpu.memory_space<hbm>>
    tpu.wait_indirect_dma semaphore(%arg12 : memref<!tpu.dma_semaphore, #tpu.memory_space<semaphore_mem>>) src(%dma_wait3A_65 : memref<128000000xf32, #tpu.memory_space<hbm>>) dst(%dma_wait3A_61 : memref<128xf32, #tpu.memory_space<vmem>>)
    %add3A_66 = arith.constant 0 : i32
    %add3A_67 = arith.addi %mul3A_2, %add3A_66 : i32
    %dma_start3A_68 = arith.constant 0 : i32
    %dma_start3A_69 = tpu.memref_slice %arg9[%dma_start3A_68] : memref<512xf32, #tpu.memory_space<vmem>> -> memref<128xf32, #tpu.memory_space<vmem>>
    %dma_start3A_70 = tpu.memref_slice %arg5[%add3A_67] : memref<16384xf32, #tpu.memory_space<hbm>> -> memref<128xf32, #tpu.memory_space<hbm>>
    %dma_start3A_71 = tpu.memref_slice %arg5[%add3A_67] : memref<16384xf32, #tpu.memory_space<hbm>> -> memref<128xf32, #tpu.memory_space<hbm>>
    %dma_start3A_72 = arith.constant 0 : i32
    %dma_start3A_73 = tpu.memref_slice %arg9[%dma_start3A_72] : memref<512xf32, #tpu.memory_space<vmem>> -> memref<128xf32, #tpu.memory_space<vmem>>
    tpu.enqueue_dma source(%dma_start3A_73 : memref<128xf32, #tpu.memory_space<vmem>>) target(%dma_start3A_71 : memref<128xf32, #tpu.memory_space<hbm>>) target_semaphore(%arg11 : memref<!tpu.dma_semaphore, #tpu.memory_space<semaphore_mem>>)
    %dma_wait3A_74 = arith.constant 128 : i32
    %dma_wait3A_75 = tpu.memref_slice %arg9[%dma_wait3A_74] : memref<512xf32, #tpu.memory_space<vmem>> -> memref<128xf32, #tpu.memory_space<vmem>>
    %dma_wait3A_76 = arith.constant 128 : i32
    %dma_wait3A_77 = tpu.memref_slice %arg8[%dma_wait3A_76] : memref<512xi32, #tpu.memory_space<vmem>> -> memref<128xi32, #tpu.memory_space<vmem>>
    %dma_wait3A_78 = arith.constant 0 : i32
    %dma_wait3A_79 = tpu.memref_slice %arg4[%dma_wait3A_78] : memref<128000000xf32, #tpu.memory_space<hbm>> -> memref<128000000xf32, #tpu.memory_space<hbm>>
    tpu.wait_indirect_dma semaphore(%arg13 : memref<!tpu.dma_semaphore, #tpu.memory_space<semaphore_mem>>) src(%dma_wait3A_79 : memref<128000000xf32, #tpu.memory_space<hbm>>) dst(%dma_wait3A_75 : memref<128xf32, #tpu.memory_space<vmem>>)
    %add3A_80 = arith.constant 128 : i32
    %add3A_81 = arith.addi %mul3A_2, %add3A_80 : i32
    %dma_start3A_82 = arith.constant 128 : i32
    %dma_start3A_83 = tpu.memref_slice %arg9[%dma_start3A_82] : memref<512xf32, #tpu.memory_space<vmem>> -> memref<128xf32, #tpu.memory_space<vmem>>
    %dma_start3A_84 = tpu.memref_slice %arg5[%add3A_81] : memref<16384xf32, #tpu.memory_space<hbm>> -> memref<128xf32, #tpu.memory_space<hbm>>
    %dma_start3A_85 = tpu.memref_slice %arg5[%add3A_81] : memref<16384xf32, #tpu.memory_space<hbm>> -> memref<128xf32, #tpu.memory_space<hbm>>
    %dma_start3A_86 = arith.constant 128 : i32
    %dma_start3A_87 = tpu.memref_slice %arg9[%dma_start3A_86] : memref<512xf32, #tpu.memory_space<vmem>> -> memref<128xf32, #tpu.memory_space<vmem>>
    tpu.enqueue_dma source(%dma_start3A_87 : memref<128xf32, #tpu.memory_space<vmem>>) target(%dma_start3A_85 : memref<128xf32, #tpu.memory_space<hbm>>) target_semaphore(%arg11 : memref<!tpu.dma_semaphore, #tpu.memory_space<semaphore_mem>>)
    %dma_wait3A_88 = arith.constant 256 : i32
    %dma_wait3A_89 = tpu.memref_slice %arg9[%dma_wait3A_88] : memref<512xf32, #tpu.memory_space<vmem>> -> memref<128xf32, #tpu.memory_space<vmem>>
    %dma_wait3A_90 = arith.constant 256 : i32
    %dma_wait3A_91 = tpu.memref_slice %arg8[%dma_wait3A_90] : memref<512xi32, #tpu.memory_space<vmem>> -> memref<128xi32, #tpu.memory_space<vmem>>
    %dma_wait3A_92 = arith.constant 0 : i32
    %dma_wait3A_93 = tpu.memref_slice %arg4[%dma_wait3A_92] : memref<128000000xf32, #tpu.memory_space<hbm>> -> memref<128000000xf32, #tpu.memory_space<hbm>>
    tpu.wait_indirect_dma semaphore(%arg14 : memref<!tpu.dma_semaphore, #tpu.memory_space<semaphore_mem>>) src(%dma_wait3A_93 : memref<128000000xf32, #tpu.memory_space<hbm>>) dst(%dma_wait3A_89 : memref<128xf32, #tpu.memory_space<vmem>>)
    %add3A_94 = arith.constant 256 : i32
    %add3A_95 = arith.addi %mul3A_2, %add3A_94 : i32
    %dma_start3A_96 = arith.constant 256 : i32
    %dma_start3A_97 = tpu.memref_slice %arg9[%dma_start3A_96] : memref<512xf32, #tpu.memory_space<vmem>> -> memref<128xf32, #tpu.memory_space<vmem>>
    %dma_start3A_98 = tpu.memref_slice %arg5[%add3A_95] : memref<16384xf32, #tpu.memory_space<hbm>> -> memref<128xf32, #tpu.memory_space<hbm>>
    %dma_start3A_99 = tpu.memref_slice %arg5[%add3A_95] : memref<16384xf32, #tpu.memory_space<hbm>> -> memref<128xf32, #tpu.memory_space<hbm>>
    %dma_start3A_100 = arith.constant 256 : i32
    %dma_start3A_101 = tpu.memref_slice %arg9[%dma_start3A_100] : memref<512xf32, #tpu.memory_space<vmem>> -> memref<128xf32, #tpu.memory_space<vmem>>
    tpu.enqueue_dma source(%dma_start3A_101 : memref<128xf32, #tpu.memory_space<vmem>>) target(%dma_start3A_99 : memref<128xf32, #tpu.memory_space<hbm>>) target_semaphore(%arg11 : memref<!tpu.dma_semaphore, #tpu.memory_space<semaphore_mem>>)
    %dma_wait3A_102 = arith.constant 384 : i32
    %dma_wait3A_103 = tpu.memref_slice %arg9[%dma_wait3A_102] : memref<512xf32, #tpu.memory_space<vmem>> -> memref<128xf32, #tpu.memory_space<vmem>>
    %dma_wait3A_104 = arith.constant 384 : i32
    %dma_wait3A_105 = tpu.memref_slice %arg8[%dma_wait3A_104] : memref<512xi32, #tpu.memory_space<vmem>> -> memref<128xi32, #tpu.memory_space<vmem>>
    %dma_wait3A_106 = arith.constant 0 : i32
    %dma_wait3A_107 = tpu.memref_slice %arg4[%dma_wait3A_106] : memref<128000000xf32, #tpu.memory_space<hbm>> -> memref<128000000xf32, #tpu.memory_space<hbm>>
    tpu.wait_indirect_dma semaphore(%arg15 : memref<!tpu.dma_semaphore, #tpu.memory_space<semaphore_mem>>) src(%dma_wait3A_107 : memref<128000000xf32, #tpu.memory_space<hbm>>) dst(%dma_wait3A_103 : memref<128xf32, #tpu.memory_space<vmem>>)
    %add3A_108 = arith.constant 384 : i32
    %add3A_109 = arith.addi %mul3A_2, %add3A_108 : i32
    %dma_start3A_110 = arith.constant 384 : i32
    %dma_start3A_111 = tpu.memref_slice %arg9[%dma_start3A_110] : memref<512xf32, #tpu.memory_space<vmem>> -> memref<128xf32, #tpu.memory_space<vmem>>
    %dma_start3A_112 = tpu.memref_slice %arg5[%add3A_109] : memref<16384xf32, #tpu.memory_space<hbm>> -> memref<128xf32, #tpu.memory_space<hbm>>
    %dma_start3A_113 = tpu.memref_slice %arg5[%add3A_109] : memref<16384xf32, #tpu.memory_space<hbm>> -> memref<128xf32, #tpu.memory_space<hbm>>
    %dma_start3A_114 = arith.constant 384 : i32
    %dma_start3A_115 = tpu.memref_slice %arg9[%dma_start3A_114] : memref<512xf32, #tpu.memory_space<vmem>> -> memref<128xf32, #tpu.memory_space<vmem>>
    tpu.enqueue_dma source(%dma_start3A_115 : memref<128xf32, #tpu.memory_space<vmem>>) target(%dma_start3A_113 : memref<128xf32, #tpu.memory_space<hbm>>) target_semaphore(%arg11 : memref<!tpu.dma_semaphore, #tpu.memory_space<semaphore_mem>>)
    %dma_wait3A_116 = arith.constant 0 : i32
    %dma_wait3A_117 = tpu.memref_slice %arg9[%dma_wait3A_116] : memref<512xf32, #tpu.memory_space<vmem>> -> memref<128xf32, #tpu.memory_space<vmem>>
    %dma_wait3A_118 = tpu.memref_slice %arg5[%add3A_67] : memref<16384xf32, #tpu.memory_space<hbm>> -> memref<128xf32, #tpu.memory_space<hbm>>
    %dma_wait3A_119 = tpu.memref_slice %arg5[%add3A_67] : memref<16384xf32, #tpu.memory_space<hbm>> -> memref<128xf32, #tpu.memory_space<hbm>>
    %dma_wait3A_120 = arith.constant 0 : i32
    %dma_wait3A_121 = tpu.memref_slice %arg9[%dma_wait3A_120] : memref<512xf32, #tpu.memory_space<vmem>> -> memref<128xf32, #tpu.memory_space<vmem>>
    tpu.wait_dma2 semaphore(%arg11 : memref<!tpu.dma_semaphore, #tpu.memory_space<semaphore_mem>>) src(%dma_wait3A_121 : memref<128xf32, #tpu.memory_space<vmem>>) dst(%dma_wait3A_119 : memref<128xf32, #tpu.memory_space<hbm>>)
    %dma_wait3A_122 = arith.constant 128 : i32
    %dma_wait3A_123 = tpu.memref_slice %arg9[%dma_wait3A_122] : memref<512xf32, #tpu.memory_space<vmem>> -> memref<128xf32, #tpu.memory_space<vmem>>
    %dma_wait3A_124 = tpu.memref_slice %arg5[%add3A_81] : memref<16384xf32, #tpu.memory_space<hbm>> -> memref<128xf32, #tpu.memory_space<hbm>>
    %dma_wait3A_125 = tpu.memref_slice %arg5[%add3A_81] : memref<16384xf32, #tpu.memory_space<hbm>> -> memref<128xf32, #tpu.memory_space<hbm>>
    %dma_wait3A_126 = arith.constant 128 : i32
    %dma_wait3A_127 = tpu.memref_slice %arg9[%dma_wait3A_126] : memref<512xf32, #tpu.memory_space<vmem>> -> memref<128xf32, #tpu.memory_space<vmem>>
    tpu.wait_dma2 semaphore(%arg11 : memref<!tpu.dma_semaphore, #tpu.memory_space<semaphore_mem>>) src(%dma_wait3A_127 : memref<128xf32, #tpu.memory_space<vmem>>) dst(%dma_wait3A_125 : memref<128xf32, #tpu.memory_space<hbm>>)
    %dma_wait3A_128 = arith.constant 256 : i32
    %dma_wait3A_129 = tpu.memref_slice %arg9[%dma_wait3A_128] : memref<512xf32, #tpu.memory_space<vmem>> -> memref<128xf32, #tpu.memory_space<vmem>>
    %dma_wait3A_130 = tpu.memref_slice %arg5[%add3A_95] : memref<16384xf32, #tpu.memory_space<hbm>> -> memref<128xf32, #tpu.memory_space<hbm>>
    %dma_wait3A_131 = tpu.memref_slice %arg5[%add3A_95] : memref<16384xf32, #tpu.memory_space<hbm>> -> memref<128xf32, #tpu.memory_space<hbm>>
    %dma_wait3A_132 = arith.constant 256 : i32
    %dma_wait3A_133 = tpu.memref_slice %arg9[%dma_wait3A_132] : memref<512xf32, #tpu.memory_space<vmem>> -> memref<128xf32, #tpu.memory_space<vmem>>
    tpu.wait_dma2 semaphore(%arg11 : memref<!tpu.dma_semaphore, #tpu.memory_space<semaphore_mem>>) src(%dma_wait3A_133 : memref<128xf32, #tpu.memory_space<vmem>>) dst(%dma_wait3A_131 : memref<128xf32, #tpu.memory_space<hbm>>)
    %dma_wait3A_134 = arith.constant 384 : i32
    %dma_wait3A_135 = tpu.memref_slice %arg9[%dma_wait3A_134] : memref<512xf32, #tpu.memory_space<vmem>> -> memref<128xf32, #tpu.memory_space<vmem>>
    %dma_wait3A_136 = tpu.memref_slice %arg5[%add3A_109] : memref<16384xf32, #tpu.memory_space<hbm>> -> memref<128xf32, #tpu.memory_space<hbm>>
    %dma_wait3A_137 = tpu.memref_slice %arg5[%add3A_109] : memref<16384xf32, #tpu.memory_space<hbm>> -> memref<128xf32, #tpu.memory_space<hbm>>
    %dma_wait3A_138 = arith.constant 384 : i32
    %dma_wait3A_139 = tpu.memref_slice %arg9[%dma_wait3A_138] : memref<512xf32, #tpu.memory_space<vmem>> -> memref<128xf32, #tpu.memory_space<vmem>>
    tpu.wait_dma2 semaphore(%arg11 : memref<!tpu.dma_semaphore, #tpu.memory_space<semaphore_mem>>) src(%dma_wait3A_139 : memref<128xf32, #tpu.memory_space<vmem>>) dst(%dma_wait3A_137 : memref<128xf32, #tpu.memory_space<hbm>>)
    return
  }
}

</mosaic_0001>

<sc_bundles>
// kernel: kernel.3.cloned.1.call-start
scs
__scs_entry_jumppad:
0x0: {  	(pc) =	sbr.rel $0x88, $3  }
0x1: {  	(tag) =	ssettag $0x0;
	lr =	simm.s32 $0x1  }
0x2: {  	[smem:$0x3F9E] =	sst lr;
	_ =	strace $0xD0000000  }
0x3: {  	_ = 	snop  }
0x4: {  	_ = 	snop  }
0x5: {  	_ = 	snop  }
0x6: {  	_ = 	snop  }
0x7: {  	_ = 	snop  }
__scs_overlays_trampoline_lowered:
0x8: {  	[smem:$0x3FAD] =	sst s0  }
0x9: {  	[smem:$0x3FAE] =	sst s1  }
0xa: {  	[smem:$0x3FAF] =	sst s2  }
0xb: {  	[smem:$0x3FB0] =	sst s3  }
0xc: {  	[smem:$0x3FB1] =	sst s4  }
0xd: {  	[smem:$0x3FB2] =	sst s5  }
0xe: {  	[smem:$0x3FB3] =	sst s6  }
0xf: {  	[smem:$0x3FB4] =	sst s7  }
0x10: {  	[smem:$0x3FB5] =	sst s8  }
0x11: {  	[smem:$0x3FB6] =	sst s9;
	s0 =	simm.s32 @!p0 $0x0  }
0x12: {  	s1 =	sld [smem:$0x3F9C];
	s0 =	simm.s32 @p0 $0x1  }
0x13: {  	[smem:$0x3FB7] =	sst s0;
	s0 =	simm.s32 @!p1 $0x0  }
0x14: {  	s2 =	sld [smem:$0x3F9B];
	s0 =	simm.s32 @p1 $0x1  }
0x15: {  	[smem:$0x3FB8] =	sst s0;
	s0 =	simm.s32 @!p2 $0x0  }
0x16: {  	s3 =	sld [smem:$0x3FDB];
	s0 =	simm.s32 @p2 $0x1  }
0x17: {  	s4 =	simm.s32 $0x1BF5;
	[smem:$0x3FBA] =	sst s0  }
0x18: {  	s0 =	sld [smem:$0x3F9D];
	_ =	swait.ge [sflag:s4], $0x0  }
0x19: {  	s7 =	sld [smem:$0x3F9E]  }
0x1a: {  	s8 =	sadd.s32 $0xFFFFE003, lr  }
0x1b: {  	s9 =	sadd.s32 $0xFFFFFEF7, lr;
	s5 =	simm.s32 $0xFFFFFFFF;
	p2 =	slt.u32 s8, $0xFFFFF086  }
0x1c: {  	p1 =	slt.u32 s9, $0xF7A;
	s5 =	simm.s32 @!p2 $0x0  }
0x1d: {  	s5 =	simm.s32 @p1 $0x1;
	p0 =	seq.s32 s7, s2  }
0x1e: {  	s7 =	smul.u32 @!p0 $0xF7A, s2;
	p2 =	seq.s32 @!p0 s5, $0x0  }
0x1f: {  	s9 =	smul.u32 $0xF7A, s1;
	s8 =	simm.s32 @!p0 $0x1BF5;
	p2 =	por !p2, p0  }
0x20: {  	[sflag:s8] =	ssyncset.s32 @!p0 $0xFFFFF086;
	s6 =	sadd.s32 @!p0 s3, s7;
	s7 =	simm.s32 @!p0 $0x108  }
0x21: {  	s3 =	sadd.s32 s3, s9;
	s6 =	sadd.s32 @!p0 $0x88, s6;
	s7 =	simm.s32 @p2 $0x1082  }
0x22: {  	[simem:s7], [sflag:s8] =	dma.local @!p0 [hbm:s6], $0xF7A  }
0x23: {  	s9 =	sor.u32 $0xD0000000, s2;
	s6 =	simm.s32 $0x108;
	_ =	swait.ge @!p0 [sflag:s8], $0x0  }
0x24: {  	s3 =	sadd.s32 $0x88, s3;
	s6 =	simm.s32 @!p1 $0x1082;
	[sflag:s4] =	ssyncset.s32 $0xFFFFF086  }
0x25: {  	[simem:s6], [sflag:s4] =	dma.local [hbm:s3], $0xF7A  }
0x26: {  	[smem:$0x3F9E] =	sst s1;
	(tag) =	ssettag s2;
	_ =	strace s9  }
0x27: {  	s1 =	sld [smem:$0x3FAE]  }
0x28: {  	s2 =	sld [smem:$0x3FAF]  }
0x29: {  	s4 =	sld [smem:$0x3FB1]  }
0x2a: {  	p0 =	seq.s32 s5, $0x0;
	s5 =	sld [smem:$0x3FB2]  }
0x2b: {  	s6 =	sld [smem:$0x3FB3]  }
0x2c: {  	s7 =	sld [smem:$0x3FB4]  }
0x2d: {  	s3 =	simm.s32 $0x108;
	s8 =	sld [smem:$0x3FB5]  }
0x2e: {  	s3 =	simm.s32 @!p0 $0x1082;
	s9 =	sld [smem:$0x3FB6]  }
0x2f: {  	lr =	sadd.s32 s0, s3;
	s0 =	sld [smem:$0x3FAD]  }
0x30: {  	s3 =	sld [smem:$0x3FB0]  }
0x31: {  	[smem:$0x3FB9] =	sst s10  }
0x32: {  	s10 =	sld [smem:$0x3FB7];
	_ =	sdelay $0x3  }
0x33: {  	p0 =	seq.s32 s10, $0x1;
	s10 =	sld [smem:$0x3FB9];
	_ =	sdelay $0x3  }
0x34: {  	[smem:$0x3FB9] =	sst s10  }
0x35: {  	s10 =	sld [smem:$0x3FB8];
	_ =	sdelay $0x3  }
0x36: {  	p1 =	seq.s32 s10, $0x1;
	s10 =	sld [smem:$0x3FB9];
	_ =	sdelay $0x3  }
0x37: {  	[smem:$0x3FB9] =	sst s10  }
0x38: {  	s10 =	sld [smem:$0x3FBA]  }
0x39: {  	_ = 	snop;
	(pc) =	sbr.ind lr, $3  }
0x3a: {  	_ = 	snop  }
0x3b: {  	_ = 	snop  }
0x3c: {  	p2 =	seq.s32 s10, $0x1;
	s10 =	sld [smem:$0x3FB9]  }
0x3d: {  	_ =	shalt  }
0x3e: {  	_ =	shalt  }
0x3f: {  	_ =	shalt  }
0x40: {  	_ =	shalt  }
0x41: {  	_ =	shalt  }
0x42: {  	_ =	shalt  }
0x43: {  	_ =	shalt  }
0x44: {  	_ =	shalt  }
0x45: {  	_ =	shalt  }
0x46: {  	_ =	shalt  }
0x47: {  	_ =	shalt  }
0x48: {  	_ =	shalt  }
0x49: {  	_ =	shalt  }
0x4a: {  	_ =	shalt  }
0x4b: {  	_ =	shalt  }
0x4c: {  	_ =	shalt  }
0x4d: {  	_ =	shalt  }
0x4e: {  	_ =	shalt  }
0x4f: {  	_ =	shalt  }
0x50: {  	_ =	shalt  }
0x51: {  	_ =	shalt  }
0x52: {  	_ =	shalt  }
0x53: {  	_ =	shalt  }
0x54: {  	_ =	shalt  }
0x55: {  	_ =	shalt  }
0x56: {  	_ =	shalt  }
0x57: {  	_ =	shalt  }
0x58: {  	_ =	shalt  }
0x59: {  	_ =	shalt  }
0x5a: {  	_ =	shalt  }
0x5b: {  	_ =	shalt  }
0x5c: {  	_ =	shalt  }
0x5d: {  	_ =	shalt  }
0x5e: {  	_ =	shalt  }
0x5f: {  	_ =	shalt  }
0x60: {  	_ =	shalt  }
0x61: {  	_ =	shalt  }
0x62: {  	_ =	shalt  }
0x63: {  	_ =	shalt  }
0x64: {  	_ =	shalt  }
0x65: {  	_ =	shalt  }
0x66: {  	_ =	shalt  }
0x67: {  	_ =	shalt  }
0x68: {  	_ =	shalt  }
0x69: {  	_ =	shalt  }
0x6a: {  	_ =	shalt  }
0x6b: {  	_ =	shalt  }
0x6c: {  	_ =	shalt  }
0x6d: {  	_ =	shalt  }
0x6e: {  	_ =	shalt  }
0x6f: {  	_ =	shalt  }
0x70: {  	_ =	shalt  }
0x71: {  	_ =	shalt  }
0x72: {  	_ =	shalt  }
0x73: {  	_ =	shalt  }
0x74: {  	_ =	shalt  }
0x75: {  	_ =	shalt  }
0x76: {  	_ =	shalt  }
0x77: {  	_ =	shalt  }
0x78: {  	_ =	shalt  }
0x79: {  	_ =	shalt  }
0x7a: {  	_ =	shalt  }
0x7b: {  	_ =	shalt  }
0x7c: {  	_ =	shalt  }
0x7d: {  	_ =	shalt  }
0x7e: {  	_ =	shalt  }
0x7f: {  	_ =	shalt  }
0x80: {  	_ =	shalt  }
0x81: {  	_ =	shalt  }
0x82: {  	_ =	shalt  }
0x83: {  	_ =	shalt  }
0x84: {  	_ =	shalt  }
0x85: {  	_ =	shalt  }
0x86: {  	_ =	shalt  }
0x87: {  	_ =	shalt  }
.Lfunc_end0:
.L_simem_size_0:
called_computation_lowered:
.L_overlay_start_0:
0x88: {  	s2 =	sld [smem:$0x3FD9]  }
0x89: {  	s3 =	sld [smem:$0x3FFE];
	_ =	sdelay $0x1  }
0x8a: {  	s1 =	srdreg.scid  }
0x8b: {  	s0 =	sand.u32 $0x1, s1  }
0x8c: {  	s18 =	sshll.u32 s0, $0xA;
	s2 =	sadd.s32 s3, s2  }
0x8d: {  	s2 =	sadd.s32 s2, s18  }
0x8e: {  	[smem:$0x3FC5] =	sst s2  }
0x8f: {  	_ = 	snop  }
0x90: {  	s2 =	sld [smem:$0x3FC9]  }
0x91: {  	s19 =	sld [smem:$0x3FC8]  }
0x92: {  	s4 =	sld [smem:$0x3FC7]  }
0x93: {  	s5 =	sld [smem:$0x3FD0];
	(tm) =	ssettm $0x1  }
0x94: {  	s6 =	sld [smem:$0x3FFB];
	_ =	sdelay $0x3  }
0x95: {  	_ =	strace s6  }
0x96: {  	s6 =	sld [smem:$0x3FFC];
	_ =	sdelay $0x3  }
0x97: {  	_ =	strace s6  }
0x98: {  	s6 =	sld [smem:$0x3FFD];
	_ =	sdelay $0x3  }
0x99: {  	_ =	strace s6  }
0x9a: {  	_ =	strace $0x8FFFFFFF  }
0x9b: {  	s20 =	sld [smem:$0x3FDB];
	_ =	sdelay $0x1  }
0x9c: {  	s7 =	simm.s32 $_scs_section_size  }
0x9d: {  	s8 =	simm.s32 $_size__tile_overlayer_lowered;
	s9 =	simm.s32 $_tile_overlayer_lowered  }
0x9e: {  	s23 =	simm.s32 $0x1BFF;
	s22 =	sshll.u32 s9, $0x1;
	s6 =	sadd.s32 s7, s20  }
0x9f: {  	s10 =	simm.s32 $0x0;
	s21 =	sshll.u32 s8, $0x1;
	s8 =	sadd.s32 s22, s6  }
0xa0: {  	[timem:s10], [sflag:s23] =	dma.local [hbm:s8], s21  }
0xa1: {  	_ =	swait.ge [sflag:s23], s21  }
0xa2: {  	s7 =	ssub.s32 $0x0, s21;
	[sflag:s23] =	ssyncset.done $0x0  }
0xa3: {  	[sflag:s23] =	ssyncadd.s32 s7;
	_ =	sdelay $0x1  }
0xa4: {  	s24 =	simm.s32 $0x1B8B  }
0xa5: {  	_ =	swait.ge [sflag:s24], $0x1  }
0xa6: {  	[sflag:s24] =	ssyncset.done $0x0  }
0xa7: {  	s25 =	simm.s32 $0x1B8E;
	[sflag:s24] =	ssyncadd.s32 $0xFFFFFFFF  }
0xa8: {  	s26 =	simm.s32 $execute0_lowered;
	[smem:$0x3FD2] =	sst s25  }
0xa9: {  	s7 =	sshll.u32 s26, $0x1;
	_ =	strace $0x80000046;
	[dreg:$0x1] =	wrdreg $0xFFFFFFFF  }
0xaa: {  	s28 =	simm.s32 $_size_execute0_lowered;
	s6 =	sadd.s32 s6, s7;
	[dreg:$0x0] =	wrdreg $0x0  }
0xab: {  	s7 =	sshll.u32 s28, $0x1;
	[dreg:$0x2] =	wrdreg s6  }
0xac: {  	[dreg:$0x3] =	wrdreg s7  }
0xad: {  	[dreg:$0x4] =	wrdreg $0xC0  }
0xae: {  	_ =	task [dreg:s10], $0x5FFFF  }
0xaf: {  	[dreg:$0x1] =	wrdreg $0xFFFFFFFF  }
0xb0: {  	[dreg:$0x0] =	wrdreg $0x60  }
0xb1: {  	[dreg:$0x2] =	wrdreg s2  }
0xb2: {  	[dreg:$0x3] =	wrdreg s19  }
0xb3: {  	[dreg:$0x4] =	wrdreg s4  }
0xb4: {  	[dreg:$0x5] =	wrdreg s5  }
0xb5: {  	[dreg:$0x6] =	wrdreg $0x9  }
0xb6: {  	_ =	task.clear_ibuf [dreg:s10], $0x7FFFF;
	_ =	strace $0x90000046  }
0xb7: {  	s29 =	simm.s32 $0x9;
	_ =	strace $0x80000048  }
0xb8: {  	_ =	swait.ge [sflag:s29], $0x1  }
0xb9: {  	[sflag:s29] =	ssyncadd.s32 $0xFFFFFFFF  }
0xba: {  	_ =	strace $0x90000048  }
0xbb: {  	_ =	sfence  }
0xbc: {  	s30 =	sld [smem:$0x0];
	_ =	sdelay $0x2  }
0xbd: {  	s31 =	sshll.u32 s1, $0xD;
	s1 =	sshrl.u32 s1, $0x2  }
0xbe: {  	s3 =	sand.u32 $0x4000, s31;
	s1 =	sadd.s32 s1, s30  }
0xbf: {  	s0 =	sor.u32 s3, s0;
	s1 =	sshll.u32 s1, $0x11  }
0xc0: {  	s0 =	sor.u32 s1, s0  }
0xc1: {  	s0 =	sadd.s32 $0x8F2B, s0  }
0xc2: {  	[sflag:s0] =	ssyncadd.remote.s32 $0x1  }
0xc3: {  	_ =	sfence.sel $0xFFFF  }
0xc4: {  	[dreg:$0x0] =	wrdreg $0xFFFFFFFF;
	(pc) =	sbr.abs _section_cstart, $3  }
0xc5: {  	[dreg:$0x1] =	wrdreg $0xFFFFFFFF  }
0xc6: {  	_ =	task.clear_ibuf [dreg:s10], $0x2FFFF;
	_ =	strace $0x9FFFFFFF  }
0xc7: {  	(tm) =	ssettm $0x7FFFFFFF  }
tec
execute0_lowered:
.L_overlay_start_1:
0x0: {  	(tag) =	ssettag $0x1  }
0x1: {  	s4 =	rddreg [dreg:$0x0]  }
0x2: {  	s6 =	rddreg [dreg:$0x1]  }
0x3: {  	s1 =	rddreg [dreg:$0x2]  }
0x4: {  	s5 =	rddreg [dreg:$0x3]  }
0x5: {  	s0 =	rddreg [dreg:$0x4];
	s3 =	simm.s32 $0x0;
	s7 =	srdreg.scid  }
0x6: {  	s2 =	stileid.u32;
	s11 =	simm.s32 $0x200;
	s12 =	simm.s32 $0x1  }
0x7: {  	s13 =	simm.s32 $0x80;
	s14 =	simm.s32 $0x400;
	s15 =	simm.s32 $0x600  }
0x8: {  	s16 =	simm.s32 $0x480;
	s17 =	simm.s32 $0x680;
	s18 =	simm.s32 $0x500  }
0x9: {  	s19 =	simm.s32 $0x700;
	s20 =	simm.s32 $0x580;
	s21 =	simm.s32 $0x780  }
0xa: {  	s22 =	simm.s32 $0x3;
	s23 =	simm.s32 $0x4;
	s24 =	simm.s32 $0x5  }
0xb: {  	s25 =	simm.s32 $0x6;
	s26 =	simm.s32 $0x2;
	s7 =	sand.u32 $0x1, s7  }
0xc: {  	s9 =	sshll.u32 s2, $0x7;
	s8 =	ssub.s32 $0x2, s7;
	s7 =	sshll.u32 s7, $0x6  }
0xd: {  	[smem:$0x7FF] =	sst s3;
	s10 =	sshrl.u32 s8, $0x1;
	s7 =	sor.u32 s7, s9  }
0xe: {  	_ =	strace $0x80000047;
	s10 =	ssub.s32 s8, s10;
	s5 =	sadd.s32 s5, s7  }
0xf: {  	s4 =	sadd.s32 s4, s7;
	s6 =	sadd.s32 s6, s7;
	s7 =	sadd.s32 $0x10, s5  }
0x10: {  	s8 =	sadd.s32 $0x20, s5;
	s9 =	sadd.s32 $0x30, s5;
	s10 =	smax.u32 s10, $0x1  }
.LBB2_1:
0x11: {  	[tilespmem:s3], [sflag:$0x1] =	stream.linear.gather [hbm4b:s4+s3], $0x200, $0x38;
	[tilespmem:$0x800] =	vst v63  }
0x12: {  	_ = 	snop  }
0x13: {  	[tilespmem:s11], [sflag:$0x1] =	stream.linear.gather [hbm4b:s6+s3], $0x200, $0x38;
	[tilespmem:$0x800] =	vst v63  }
0x14: {  	_ =	swait.ge [sflag:s12], $0x200  }
0x15: {  	[sflag:s12] =	ssyncset.done $0x0  }
0x16: {  	[sflag:s12] =	ssyncadd.s32 $0xFFFFFE00  }
0x17: {  	_ =	swait.ge [sflag:s12], $0x200  }
0x18: {  	[sflag:s12] =	ssyncset.done $0x0  }
0x19: {  	[sflag:s12] =	ssyncadd.s32 $0xFFFFFE00  }
0x1a: {  	v0 =	vld [tilespmem:$0x0]  }
0x1b: {  	v1 =	vld [tilespmem:$0x200]  }
0x1c: {  	v2 =	vld [tilespmem:$0x10]  }
0x1d: {  	v3 =	vld [tilespmem:$0x210]  }
0x1e: {  	v4 =	vld [tilespmem:$0x20]  }
0x1f: {  	v5 =	vld [tilespmem:$0x220]  }
0x20: {  	v6 =	vld [tilespmem:$0x30]  }
0x21: {  	v7 =	vld [tilespmem:$0x230]  }
0x22: {  	v8 =	vld [tilespmem:$0x40]  }
0x23: {  	v9 =	vld [tilespmem:$0x240]  }
0x24: {  	v10 =	vld [tilespmem:$0x50]  }
0x25: {  	v11 =	vld [tilespmem:$0x250]  }
0x26: {  	v12 =	vld [tilespmem:$0x60];
	v0 =	vshll.u32 v0, $0x7  }
0x27: {  	v57 =	vld [tilespmem:$0x260];
	v56 =	vshll.u32 v2, $0x7;
	v0 =	vor.u32 v1, v0  }
0x28: {  	v60 =	vld [tilespmem:$0x70];
	v59 =	vshll.u32 v4, $0x7;
	v58 =	vor.u32 v3, v56;
	[tilespmem:$0x400] =	vst v0  }
0x29: {  	v63 =	vld [tilespmem:$0x270];
	v62 =	vshll.u32 v6, $0x7;
	v61 =	vor.u32 v5, v59;
	[tilespmem:$0x410] =	vst v58  }
0x2a: {  	v14 =	vshll.u32 v8, $0x7;
	v13 =	vor.u32 v7, v62;
	[tilespmem:$0x420] =	vst v61  }
0x2b: {  	v16 =	vshll.u32 v10, $0x7;
	v15 =	vor.u32 v9, v14;
	[tilespmem:$0x430] =	vst v13  }
0x2c: {  	v18 =	vshll.u32 v12, $0x7;
	v17 =	vor.u32 v11, v16;
	[tilespmem:$0x440] =	vst v15  }
0x2d: {  	v20 =	vshll.u32 v60, $0x7;
	v19 =	vor.u32 v57, v18;
	[tilespmem:$0x450] =	vst v17  }
0x2e: {  	v21 =	vor.u32 v63, v20;
	[tilespmem:$0x460] =	vst v19  }
0x2f: {  	[tilespmem:$0x470] =	vst v21  }
0x30: {  	[tilespmem:s15], [sflag:$0x3] =	stream.indirect.gather [hbm4b:s1+s13], $0x1, s14, s13, $0xb8;
	[tilespmem:$0x800] =	vst v63  }
0x31: {  	v22 =	vld [tilespmem:$0x80]  }
0x32: {  	v23 =	vld [tilespmem:$0x280]  }
0x33: {  	v24 =	vld [tilespmem:$0x90]  }
0x34: {  	v25 =	vld [tilespmem:$0x290]  }
0x35: {  	v26 =	vld [tilespmem:$0xA0]  }
0x36: {  	v27 =	vld [tilespmem:$0x2A0]  }
0x37: {  	v28 =	vld [tilespmem:$0xB0]  }
0x38: {  	v29 =	vld [tilespmem:$0x2B0]  }
0x39: {  	v30 =	vld [tilespmem:$0xC0]  }
0x3a: {  	v31 =	vld [tilespmem:$0x2C0]  }
0x3b: {  	v32 =	vld [tilespmem:$0xD0]  }
0x3c: {  	v33 =	vld [tilespmem:$0x2D0]  }
0x3d: {  	v34 =	vld [tilespmem:$0xE0];
	v0 =	vshll.u32 v22, $0x7  }
0x3e: {  	v36 =	vld [tilespmem:$0x2E0];
	v35 =	vshll.u32 v24, $0x7;
	v0 =	vor.u32 v23, v0  }
0x3f: {  	v39 =	vld [tilespmem:$0xF0];
	v38 =	vshll.u32 v26, $0x7;
	v37 =	vor.u32 v25, v35;
	[tilespmem:$0x480] =	vst v0  }
0x40: {  	v42 =	vld [tilespmem:$0x2F0];
	v41 =	vshll.u32 v28, $0x7;
	v40 =	vor.u32 v27, v38;
	[tilespmem:$0x490] =	vst v37  }
0x41: {  	v44 =	vshll.u32 v30, $0x7;
	v43 =	vor.u32 v29, v41;
	[tilespmem:$0x4A0] =	vst v40  }
0x42: {  	v46 =	vshll.u32 v32, $0x7;
	v45 =	vor.u32 v31, v44;
	[tilespmem:$0x4B0] =	vst v43  }
0x43: {  	v48 =	vshll.u32 v34, $0x7;
	v47 =	vor.u32 v33, v46;
	[tilespmem:$0x4C0] =	vst v45  }
0x44: {  	v50 =	vshll.u32 v39, $0x7;
	v49 =	vor.u32 v36, v48;
	[tilespmem:$0x4D0] =	vst v47  }
0x45: {  	v51 =	vor.u32 v42, v50;
	[tilespmem:$0x4E0] =	vst v49  }
0x46: {  	[tilespmem:$0x4F0] =	vst v51  }
0x47: {  	[tilespmem:s17], [sflag:$0x4] =	stream.indirect.gather [hbm4b:s1+s13], $0x1, s16, s13, $0xb8;
	[tilespmem:$0x800] =	vst v63  }
0x48: {  	v52 =	vld [tilespmem:$0x100]  }
0x49: {  	v53 =	vld [tilespmem:$0x300]  }
0x4a: {  	v54 =	vld [tilespmem:$0x110]  }
0x4b: {  	v55 =	vld [tilespmem:$0x310]  }
0x4c: {  	v56 =	vld [tilespmem:$0x120]  }
0x4d: {  	v57 =	vld [tilespmem:$0x320]  }
0x4e: {  	v58 =	vld [tilespmem:$0x130]  }
0x4f: {  	v59 =	vld [tilespmem:$0x330]  }
0x50: {  	v60 =	vld [tilespmem:$0x140]  }
0x51: {  	v61 =	vld [tilespmem:$0x340]  }
0x52: {  	v62 =	vld [tilespmem:$0x150]  }
0x53: {  	v63 =	vld [tilespmem:$0x350]  }
0x54: {  	v16 =	vld [tilespmem:$0x160];
	v0 =	vshll.u32 v52, $0x7  }
0x55: {  	v18 =	vld [tilespmem:$0x360];
	v17 =	vshll.u32 v54, $0x7;
	v0 =	vor.u32 v53, v0  }
0x56: {  	v21 =	vld [tilespmem:$0x170];
	v20 =	vshll.u32 v56, $0x7;
	v19 =	vor.u32 v55, v17;
	[tilespmem:$0x500] =	vst v0  }
0x57: {  	v24 =	vld [tilespmem:$0x370];
	v23 =	vshll.u32 v58, $0x7;
	v22 =	vor.u32 v57, v20;
	[tilespmem:$0x510] =	vst v19  }
0x58: {  	v26 =	vshll.u32 v60, $0x7;
	v25 =	vor.u32 v59, v23;
	[tilespmem:$0x520] =	vst v22  }
0x59: {  	v28 =	vshll.u32 v62, $0x7;
	v27 =	vor.u32 v61, v26;
	[tilespmem:$0x530] =	vst v25  }
0x5a: {  	v30 =	vshll.u32 v16, $0x7;
	v29 =	vor.u32 v63, v28;
	[tilespmem:$0x540] =	vst v27  }
0x5b: {  	v32 =	vshll.u32 v21, $0x7;
	v31 =	vor.u32 v18, v30;
	[tilespmem:$0x550] =	vst v29  }
0x5c: {  	v33 =	vor.u32 v24, v32;
	[tilespmem:$0x560] =	vst v31  }
0x5d: {  	[tilespmem:$0x570] =	vst v33  }
0x5e: {  	[tilespmem:s19], [sflag:$0x5] =	stream.indirect.gather [hbm4b:s1+s13], $0x1, s18, s13, $0xb8;
	[tilespmem:$0x800] =	vst v63  }
0x5f: {  	v34 =	vld [tilespmem:$0x180]  }
0x60: {  	v35 =	vld [tilespmem:$0x380]  }
0x61: {  	v36 =	vld [tilespmem:$0x190]  }
0x62: {  	v37 =	vld [tilespmem:$0x390]  }
0x63: {  	v38 =	vld [tilespmem:$0x1A0]  }
0x64: {  	v39 =	vld [tilespmem:$0x3A0]  }
0x65: {  	v40 =	vld [tilespmem:$0x1B0]  }
0x66: {  	v41 =	vld [tilespmem:$0x3B0]  }
0x67: {  	v42 =	vld [tilespmem:$0x1C0]  }
0x68: {  	v43 =	vld [tilespmem:$0x3C0]  }
0x69: {  	v44 =	vld [tilespmem:$0x1D0]  }
0x6a: {  	v45 =	vld [tilespmem:$0x3D0]  }
0x6b: {  	v46 =	vld [tilespmem:$0x1E0];
	v0 =	vshll.u32 v34, $0x7  }
0x6c: {  	v48 =	vld [tilespmem:$0x3E0];
	v47 =	vshll.u32 v36, $0x7;
	v0 =	vor.u32 v35, v0  }
0x6d: {  	v51 =	vld [tilespmem:$0x1F0];
	v50 =	vshll.u32 v38, $0x7;
	v49 =	vor.u32 v37, v47;
	[tilespmem:$0x580] =	vst v0  }
0x6e: {  	v54 =	vld [tilespmem:$0x3F0];
	v53 =	vshll.u32 v40, $0x7;
	v52 =	vor.u32 v39, v50;
	[tilespmem:$0x590] =	vst v49  }
0x6f: {  	v56 =	vshll.u32 v42, $0x7;
	v55 =	vor.u32 v41, v53;
	[tilespmem:$0x5A0] =	vst v52  }
0x70: {  	v58 =	vshll.u32 v44, $0x7;
	v57 =	vor.u32 v43, v56;
	[tilespmem:$0x5B0] =	vst v55  }
0x71: {  	v60 =	vshll.u32 v46, $0x7;
	v59 =	vor.u32 v45, v58;
	[tilespmem:$0x5C0] =	vst v57  }
0x72: {  	v62 =	vshll.u32 v51, $0x7;
	v61 =	vor.u32 v48, v60;
	[tilespmem:$0x5D0] =	vst v59  }
0x73: {  	v63 =	vor.u32 v54, v62;
	[tilespmem:$0x5E0] =	vst v61  }
0x74: {  	[tilespmem:$0x5F0] =	vst v63  }
0x75: {  	[tilespmem:s21], [sflag:$0x6] =	stream.indirect.gather [hbm4b:s1+s13], $0x1, s20, s13, $0xb8;
	[tilespmem:$0x800] =	vst v63  }
0x76: {  	_ =	swait.ge [sflag:s22], $0x80  }
0x77: {  	[sflag:s22] =	ssyncset.done $0x0  }
0x78: {  	[sflag:s22] =	ssyncadd.s32 $0xFFFFFF80  }
0x79: {  	[hbm4b:s5+s3] =	stream.linear.scatter [tilespmem:s15], [sflag:$0x2], $0x80, $0x38;
	[tilespmem:$0x800] =	vst v63  }
0x7a: {  	_ =	swait.ge [sflag:s23], $0x80  }
0x7b: {  	[sflag:s23] =	ssyncset.done $0x0  }
0x7c: {  	[sflag:s23] =	ssyncadd.s32 $0xFFFFFF80  }
0x7d: {  	[hbm4b:s7+s3] =	stream.linear.scatter [tilespmem:s17], [sflag:$0x2], $0x80, $0x38;
	[tilespmem:$0x800] =	vst v63  }
0x7e: {  	_ =	swait.ge [sflag:s24], $0x80  }
0x7f: {  	[sflag:s24] =	ssyncset.done $0x0  }
0x80: {  	[sflag:s24] =	ssyncadd.s32 $0xFFFFFF80  }
0x81: {  	[hbm4b:s8+s3] =	stream.linear.scatter [tilespmem:s19], [sflag:$0x2], $0x80, $0x38;
	[tilespmem:$0x800] =	vst v63  }
0x82: {  	_ =	swait.ge [sflag:s25], $0x80  }
0x83: {  	[sflag:s25] =	ssyncset.done $0x0  }
0x84: {  	[sflag:s25] =	ssyncadd.s32 $0xFFFFFF80  }
0x85: {  	[hbm4b:s9+s3] =	stream.linear.scatter [tilespmem:s21], [sflag:$0x2], $0x80, $0x38;
	[tilespmem:$0x800] =	vst v63  }
0x86: {  	_ =	swait.ge [sflag:s26], $0x80  }
0x87: {  	[sflag:s26] =	ssyncset.done $0x0  }
0x88: {  	[sflag:s26] =	ssyncadd.s32 $0xFFFFFF80  }
0x89: {  	_ =	swait.ge [sflag:s26], $0x80  }
0x8a: {  	[sflag:s26] =	ssyncset.done $0x0  }
0x8b: {  	[sflag:s26] =	ssyncadd.s32 $0xFFFFFF80  }
0x8c: {  	p0 =	sne.s32 s10, $0x1;
	_ =	swait.ge [sflag:s26], $0x80  }
.Ltmp0:
0x8d: {  	[sflag:s26] =	ssyncset.done $0x0;
	(pc) =	sbr.rel @p0 .LBB2_1-.Ltmp0, $4  }
0x8e: {  	[sflag:s26] =	ssyncadd.s32 $0xFFFFFF80  }
0x8f: {  	_ =	swait.ge [sflag:s26], $0x80  }
0x90: {  	[sflag:s26] =	ssyncset.done $0x0  }
0x91: {  	s10 =	sadd.s32 $0xFFFFFFFF, s10;
	[sflag:s26] =	ssyncadd.s32 $0xFFFFFF80  }
0x92: {  	_ =	sfence.sel $0x180000  }
0x93: {  	[bflag:$0x0] =	sbarrier.arrive $0xFFFF  }
0x94: {  	p0 =	sne.s32 s2, $0x0;
	_ =	strace $0x90000047  }
0x95: {  	s0 =	sadd.s32 @!p0 $0x100000, s0;
	[bflag:$0x2] =	sbarrier.arrive $0xFFFF  }
0x96: {  	[sflag:s0] =	ssyncadd.tile.s32 @!p0 $0x1;
	_ =	shalt  }
.Lfunc_end2:
_tile_overlayer_lowered:
.L_overlay_start_2:
0x97: {  	(tag) =	ssettag $0x2  }
0x98: {  	s0 =	rddreg [dreg:$0x0];
	s2 =	stileid.u32  }
0x99: {  	s1 =	rddreg [dreg:$0x1];
	p0 =	sne.s32 s2, $0x0  }
0x9a: {  	s3 =	rddreg [dreg:$0x2];
	[bflag:$0x3] =	sbarrier.arrive $0xFFFF;
	s2 =	simm.s32 @!p0 $0x1C07  }
0x9b: {  	[timem:s3], [sflag:s2] =	dma.local @!p0 [hbm:s0], s1  }
0x9c: {  	s0 =	simm.s32 @!p0 $0x7  }
0x9d: {  	_ =	swait.ge @!p0 [sflag:s0], s1  }
0x9e: {  	s1 =	ssub.s32 @!p0 $0x0, s1;
	[sflag:s0] =	ssyncset.done @!p0 $0x0  }
0x9f: {  	[sflag:s0] =	ssyncadd.s32 @!p0 s1  }
0xa0: {  	[bflag:$0x3] =	sbarrier.arrive $0xFFFF  }
0xa1: {  	_ =	shalt  }

</sc_bundles>
